<compile_context>
chip_gen: v7x
topology: tpu7x:2x2x1
jax: 0.10.2.dev20260603
libtpu: 0.0.44.dev20260713+nightly
codegen_flags: <defaults>
</compile_context>

<pallas_src>
import functools

import jax
import jax.numpy as jnp
from jax import lax
from jax.experimental import pallas as pl
from jax.experimental.pallas import tpu as pltpu
from jax.experimental.pallas import tpu_sc as plsc

C = 128
N = 10000
K = 32
NK = N * K
NC, NS = 2, 16
NW = NC * NS
IDX_ROW = 128
ROWS = 2560
R_PER_W = ROWS // NW

NB = 200
F = NB * K


def _sc_gather(table, idx2d):
    mesh = plsc.VectorSubcoreMesh(core_axis_name="c", subcore_axis_name="s")

    @functools.partial(
        pl.kernel,
        mesh=mesh,
        out_type=jax.ShapeDtypeStruct((ROWS * IDX_ROW, C), jnp.float32),
        scratch_types=[
            pltpu.VMEM((IDX_ROW,), jnp.int32),
            pltpu.VMEM((IDX_ROW, C), jnp.float32),
            pltpu.SemaphoreType.DMA,
        ],
    )
    def k(table_hbm, idx_hbm, out_hbm, idx_v, rows_v, sem):
        wid = lax.axis_index("s") * NC + lax.axis_index("c")

        @pl.loop(0, R_PER_W)
        def _(i):
            r = wid * R_PER_W + i
            pltpu.sync_copy(idx_hbm.at[r], idx_v)
            pltpu.async_copy(table_hbm.at[idx_v], rows_v, sem).wait()
            pltpu.sync_copy(rows_v, out_hbm.at[pl.ds(r * IDX_ROW, IDX_ROW)])

    return k(table, idx2d)


def _tc_body(g_ref, xt_ref, o_ref):
    g = g_ref[...]
    xt = xt_ref[...]
    ctr = jnp.broadcast_to(xt[:, None, :], (NB, K, C)).reshape(F, C)
    both = jnp.concatenate([g - ctr, ctr], axis=1)
    o_ref[...] = both.T


def _tc_transform(g, x_t):
    return pl.pallas_call(
        _tc_body,
        grid=(N // NB,),
        in_specs=[
            pl.BlockSpec((F, C), lambda i: (i, 0)),
            pl.BlockSpec((NB, C), lambda i: (i, 0)),
        ],
        out_specs=pl.BlockSpec((2 * C, F), lambda i: (0, i)),
        out_shape=jax.ShapeDtypeStruct((2 * C, NK), jnp.float32),
    )(g, x_t)


def kernel(x, idx):
    b, c, n = x.shape
    k = idx.shape[-1]
    x_t = x[0].T
    idx_flat = idx.reshape(-1).astype(jnp.int32)
    idx_pad = jnp.zeros((ROWS * IDX_ROW,), jnp.int32).at[:NK].set(idx_flat)
    g = _sc_gather(x_t, idx_pad.reshape(ROWS, IDX_ROW))
    out2 = _tc_transform(g, x_t)
    return out2.reshape(1, 2 * c, n, k)

# --- scband reference (transcript-rebuilt; emitter-appended) ---
"""Pipeline reference for scband-point-group-18829136625754 (READ-ONLY COPY).

The authoritative reference and input builder live on the scoring server;
editing this copy changes nothing except your own understanding.
"""

import jax, jax.numpy as jnp
import numpy as np

B, C, N, K = 1, 128, 10000, 32

def setup_inputs(seed: int = 0) -> dict:
    key = jax.random.key(seed)
    k1, k2 = jax.random.split(key)
    x = jax.random.normal(k1, (B, C, N), dtype=jnp.float32)
    idx = jax.random.randint(k2, (B, N, K), 0, N, dtype=jnp.int64)
    return {"x": x, "idx": idx}

def reference(x, idx):
    # Faithful translation of get_graph_feature(x, k, idx) with precomputed knn idx
    b, c, n = x.shape
    k = idx.shape[-1]
    idx_base = (jnp.arange(b, dtype=idx.dtype) * n).reshape(-1, 1, 1)
    idx_flat = (idx + idx_base).reshape(-1)
    x_t = jnp.transpose(x, (0, 2, 1)).reshape(b * n, c)
    feature = jnp.take(x_t, idx_flat, axis=0)  # gather neighbor features
    feature = feature.reshape(b, n, k, c)
    x_rep = x_t.reshape(b, n, 1, c)
    x_rep = jnp.broadcast_to(x_rep, (b, n, k, c))
    feature = jnp.concatenate([feature - x_rep, x_rep], axis=3)
    feature = jnp.transpose(feature, (0, 3, 1, 2))
    return feature

if __name__ == "__main__":
    import jax
    _d = setup_inputs()
    print(jax.jit(kernel)(*tuple(_d.values())))

</pallas_src>

<mosaic_0001>
#map = affine_map<(d0, d1) -> (0, 0)>
module attributes {stable_mosaic.version = 14 : i64} {
  func.func @k(%arg0: i32, %arg1: i32, %arg2: memref<10000x128xf32, #tpu.memory_space<hbm>>, %arg3: memref<2560x128xi32, #tpu.memory_space<hbm>>, %arg4: memref<327680x128xf32, #tpu.memory_space<hbm>>, %arg5: memref<128xi32, #tpu.memory_space<vmem>>, %arg6: memref<128x128xf32, #tpu.memory_space<vmem>>, %arg7: memref<!tpu.dma_semaphore, #tpu.memory_space<semaphore_mem>>) attributes {dimension_semantics = [#tpu.dimension_semantics<core_parallel>, #tpu.dimension_semantics<subcore_parallel>], iteration_bounds = array<i64: 2, 16>, scalar_prefetch = 0 : i64, scratch_operands = 3 : i64, tpu.core_type = #tpu.core_type<sc_vector_subcore>, window_params = [{transform_indices = #map}, {transform_indices = #map}, {transform_indices = #map}]} {
    %mul3A = arith.constant 2 : i32
    %mul3A_0 = arith.muli %arg1, %mul3A : i32
    %add3A = arith.addi %mul3A_0, %arg0 : i32
    %scan3A = arith.constant 0 : i32
    %scan3A_1 = arith.constant 80 : i32
    %scan3A_2 = arith.addi %scan3A, %scan3A_1 : i32
    %scan3A_3 = arith.constant 1 : i32
    scf.for %scan3A_5 = %scan3A to %scan3A_2 step %scan3A_3  : i32 {
      %mul3A_6 = arith.constant 1 : i32
      %mul3A_7 = arith.muli %scan3A_5, %mul3A_6 : i32
      %add3A_8 = arith.constant 0 : i32
      %add3A_9 = arith.addi %add3A_8, %mul3A_7 : i32
      %mul3A_10 = arith.constant 80 : i32
      %mul3A_11 = arith.muli %add3A, %mul3A_10 : i32
      %add3A_12 = arith.addi %mul3A_11, %add3A_9 : i32
      "tpu.region"() ({
        %run_scoped3A = tpu.sem_alloc : memref<!tpu.dma_semaphore, #tpu.memory_space<semaphore_mem>>
        %dma_start3A_19 = arith.constant 0 : i32
        %dma_start3A_20 = tpu.memref_slice %arg3[%add3A_12, %dma_start3A_19] : memref<2560x128xi32, #tpu.memory_space<hbm>> -> memref<1x128xi32, #tpu.memory_space<hbm>>
        %dma_start3A_21 = tpu.memref_squeeze %dma_start3A_20 : memref<1x128xi32, #tpu.memory_space<hbm>> -> memref<128xi32, #tpu.memory_space<hbm>>
        %dma_start3A_22 = arith.constant 0 : i32
        %dma_start3A_23 = tpu.memref_slice %arg3[%add3A_12, %dma_start3A_22] : memref<2560x128xi32, #tpu.memory_space<hbm>> -> memref<1x128xi32, #tpu.memory_space<hbm>>
        %dma_start3A_24 = tpu.memref_squeeze %dma_start3A_23 : memref<1x128xi32, #tpu.memory_space<hbm>> -> memref<128xi32, #tpu.memory_space<hbm>>
        tpu.enqueue_dma source(%dma_start3A_24 : memref<128xi32, #tpu.memory_space<hbm>>) target(%arg5 : memref<128xi32, #tpu.memory_space<vmem>>) target_semaphore(%run_scoped3A : memref<!tpu.dma_semaphore, #tpu.memory_space<semaphore_mem>>)
        %dma_wait3A_25 = arith.constant 0 : i32
        %dma_wait3A_26 = tpu.memref_slice %arg3[%add3A_12, %dma_wait3A_25] : memref<2560x128xi32, #tpu.memory_space<hbm>> -> memref<1x128xi32, #tpu.memory_space<hbm>>
        %dma_wait3A_27 = tpu.memref_squeeze %dma_wait3A_26 : memref<1x128xi32, #tpu.memory_space<hbm>> -> memref<128xi32, #tpu.memory_space<hbm>>
        %dma_wait3A_28 = arith.constant 0 : i32
        %dma_wait3A_29 = tpu.memref_slice %arg3[%add3A_12, %dma_wait3A_28] : memref<2560x128xi32, #tpu.memory_space<hbm>> -> memref<1x128xi32, #tpu.memory_space<hbm>>
        %dma_wait3A_30 = tpu.memref_squeeze %dma_wait3A_29 : memref<1x128xi32, #tpu.memory_space<hbm>> -> memref<128xi32, #tpu.memory_space<hbm>>
        tpu.wait_dma2 semaphore(%run_scoped3A : memref<!tpu.dma_semaphore, #tpu.memory_space<semaphore_mem>>) src(%dma_wait3A_30 : memref<128xi32, #tpu.memory_space<hbm>>) dst(%arg5 : memref<128xi32, #tpu.memory_space<vmem>>)
        tpu.yield
      }) : () -> ()
      %dma_start3A = arith.constant 0 : i32
      %dma_start3A_13 = arith.constant 0 : i32
      %dma_start3A_14 = tpu.memref_slice %arg2[%dma_start3A, %dma_start3A_13] : memref<10000x128xf32, #tpu.memory_space<hbm>> -> memref<10000x128xf32, #tpu.memory_space<hbm>>
      tpu.enqueue_indirect_dma source(%dma_start3A_14 : memref<10000x128xf32, #tpu.memory_space<hbm>>) target(%arg6 : memref<128x128xf32, #tpu.memory_space<vmem>>) offsets(%arg5 : memref<128xi32, #tpu.memory_space<vmem>>) semaphore(%arg7 : memref<!tpu.dma_semaphore, #tpu.memory_space<semaphore_mem>>)
      %dma_wait3A = arith.constant 0 : i32
      %dma_wait3A_15 = arith.constant 0 : i32
      %dma_wait3A_16 = tpu.memref_slice %arg2[%dma_wait3A, %dma_wait3A_15] : memref<10000x128xf32, #tpu.memory_space<hbm>> -> memref<10000x128xf32, #tpu.memory_space<hbm>>
      tpu.wait_indirect_dma semaphore(%arg7 : memref<!tpu.dma_semaphore, #tpu.memory_space<semaphore_mem>>) src(%dma_wait3A_16 : memref<10000x128xf32, #tpu.memory_space<hbm>>) dst(%arg6 : memref<128x128xf32, #tpu.memory_space<vmem>>)
      %mul3A_17 = arith.constant 128 : i32
      %mul3A_18 = arith.muli %add3A_12, %mul3A_17 : i32
      "tpu.region"() ({
        %run_scoped3A = tpu.sem_alloc : memref<!tpu.dma_semaphore, #tpu.memory_space<semaphore_mem>>
        %dma_start3A_19 = arith.constant 0 : i32
        %dma_start3A_20 = tpu.memref_slice %arg4[%mul3A_18, %dma_start3A_19] : memref<327680x128xf32, #tpu.memory_space<hbm>> -> memref<128x128xf32, #tpu.memory_space<hbm>>
        %dma_start3A_21 = arith.constant 0 : i32
        %dma_start3A_22 = tpu.memref_slice %arg4[%mul3A_18, %dma_start3A_21] : memref<327680x128xf32, #tpu.memory_space<hbm>> -> memref<128x128xf32, #tpu.memory_space<hbm>>
        tpu.enqueue_dma source(%arg6 : memref<128x128xf32, #tpu.memory_space<vmem>>) target(%dma_start3A_22 : memref<128x128xf32, #tpu.memory_space<hbm>>) target_semaphore(%run_scoped3A : memref<!tpu.dma_semaphore, #tpu.memory_space<semaphore_mem>>)
        %dma_wait3A_23 = arith.constant 0 : i32
        %dma_wait3A_24 = tpu.memref_slice %arg4[%mul3A_18, %dma_wait3A_23] : memref<327680x128xf32, #tpu.memory_space<hbm>> -> memref<128x128xf32, #tpu.memory_space<hbm>>
        %dma_wait3A_25 = arith.constant 0 : i32
        %dma_wait3A_26 = tpu.memref_slice %arg4[%mul3A_18, %dma_wait3A_25] : memref<327680x128xf32, #tpu.memory_space<hbm>> -> memref<128x128xf32, #tpu.memory_space<hbm>>
        tpu.wait_dma2 semaphore(%run_scoped3A : memref<!tpu.dma_semaphore, #tpu.memory_space<semaphore_mem>>) src(%arg6 : memref<128x128xf32, #tpu.memory_space<vmem>>) dst(%dma_wait3A_26 : memref<128x128xf32, #tpu.memory_space<hbm>>)
        tpu.yield
      }) : () -> ()
    }
    %scan3A_4 = arith.constant 80 : i32
    return
  }
}

module attributes {stable_mosaic.version = 14 : i64} {
  func.func @_tc_body(%arg0: i32, %arg1: memref<6400x128xf32, #tpu.memory_space<vmem>>, %arg2: memref<200x128xf32, #tpu.memory_space<vmem>>, %arg3: memref<256x6400xf32, #tpu.memory_space<vmem>>) attributes {dimension_semantics = [#tpu.dimension_semantics<arbitrary>], iteration_bounds = array<i64: 50>, scalar_prefetch = 0 : i64, scratch_operands = 0 : i64, tpu.core_type = #tpu.core_type<tc>, window_params = [{transform_indices = @transform_0, window_bounds = array<i64: 6400, 128>}, {transform_indices = @transform_1, window_bounds = array<i64: 200, 128>}, {transform_indices = @transform_2, window_bounds = array<i64: 256, 6400>}]} {
    %get3A = arith.constant 0 : index
    %get3A_0 = arith.constant 0 : index
    %get3A_1 = vector.load %arg1[%get3A, %get3A_0] : memref<6400x128xf32, #tpu.memory_space<vmem>>, vector<6400x128xf32>
    %get3A_2 = arith.constant 0 : index
    %get3A_3 = arith.constant 0 : index
    %get3A_4 = vector.load %arg2[%get3A_2, %get3A_3] : memref<200x128xf32, #tpu.memory_space<vmem>>, vector<200x128xf32>
    %broadcast_in_dim3A = vector.shape_cast %get3A_4 : vector<200x128xf32> to vector<200x1x128xf32>
    %broadcast_in_dim3A_5 = vector.shape_cast %broadcast_in_dim3A : vector<200x1x128xf32> to vector<200x1x128xf32>
    %broadcast_in_dim3A_6 = vector.broadcast %broadcast_in_dim3A_5 : vector<200x1x128xf32> to vector<200x32x128xf32>
    %reshape3A = vector.shape_cast %broadcast_in_dim3A_6 : vector<200x32x128xf32> to vector<6400x128xf32>
    %sub3A = arith.subf %get3A_1, %reshape3A : vector<6400x128xf32>
    %concatenate3A = tpu.concatenate %sub3A, %reshape3A in 1 : vector<6400x128xf32>, vector<6400x128xf32> -> vector<6400x256xf32>
    %transpose3A = tpu.transpose %concatenate3A, [1, 0] : vector<6400x256xf32> -> vector<256x6400xf32>
    %swap3A = arith.constant 0 : index
    %swap3A_7 = arith.constant 0 : index
    %swap3A_8 = vector.load %arg3[%swap3A, %swap3A_7] : memref<256x6400xf32, #tpu.memory_space<vmem>>, vector<256x6400xf32>
    tpu.vector_store %arg3[%swap3A, %swap3A_7], %transpose3A {strides = array<i32>} : memref<256x6400xf32, #tpu.memory_space<vmem>>, vector<256x6400xf32>,
    return
  }
  func.func @transform_0(%arg0: i32) -> (i32, i32) {
    %c0_i32 = arith.constant 0 : i32
    %c0_i32_0 = arith.constant 0 : i32
    return %arg0, %c0_i32 : i32, i32
  }
  func.func @transform_1(%arg0: i32) -> (i32, i32) {
    %c0_i32 = arith.constant 0 : i32
    %c0_i32_0 = arith.constant 0 : i32
    return %arg0, %c0_i32 : i32, i32
  }
  func.func @transform_2(%arg0: i32) -> (i32, i32) {
    %c0_i32 = arith.constant 0 : i32
    %c0_i32_0 = arith.constant 0 : i32
    return %c0_i32, %arg0 : i32, i32
  }
}

</mosaic_0001>

<sc_bundles>
// kernel: kernel.4.cloned.1.call-start
scs
__scs_entry_jumppad:
0x0: {  	(pc) =	sbr.rel $0x88, $3  }
0x1: {  	(tag) =	ssettag $0x0;
	lr =	simm.s32 $0x1  }
0x2: {  	[smem:$0x3F9F] =	sst lr;
	_ =	strace $0xD0000000  }
0x3: {  	_ = 	snop  }
0x4: {  	_ = 	snop  }
0x5: {  	_ = 	snop  }
0x6: {  	_ = 	snop  }
0x7: {  	_ = 	snop  }
__scs_overlays_trampoline_lowered:
0x8: {  	[smem:$0x3FAE] =	sst s0  }
0x9: {  	[smem:$0x3FAF] =	sst s1  }
0xa: {  	[smem:$0x3FB0] =	sst s2  }
0xb: {  	[smem:$0x3FB1] =	sst s3  }
0xc: {  	[smem:$0x3FB2] =	sst s4  }
0xd: {  	[smem:$0x3FB3] =	sst s5  }
0xe: {  	[smem:$0x3FB4] =	sst s6  }
0xf: {  	[smem:$0x3FB5] =	sst s7  }
0x10: {  	[smem:$0x3FB6] =	sst s8  }
0x11: {  	[smem:$0x3FB7] =	sst s9;
	s0 =	simm.s32 @!p0 $0x0  }
0x12: {  	s1 =	sld [smem:$0x3F9D];
	s0 =	simm.s32 @p0 $0x1  }
0x13: {  	[smem:$0x3FB8] =	sst s0;
	s0 =	simm.s32 @!p1 $0x0  }
0x14: {  	s2 =	sld [smem:$0x3F9C];
	s0 =	simm.s32 @p1 $0x1  }
0x15: {  	[smem:$0x3FB9] =	sst s0;
	s0 =	simm.s32 @!p2 $0x0  }
0x16: {  	s3 =	sld [smem:$0x3FDB];
	s0 =	simm.s32 @p2 $0x1  }
0x17: {  	s4 =	simm.s32 $0x1BF5;
	[smem:$0x3FBB] =	sst s0  }
0x18: {  	s0 =	sld [smem:$0x3F9E];
	_ =	swait.ge [sflag:s4], $0x0  }
0x19: {  	s7 =	sld [smem:$0x3F9F]  }
0x1a: {  	s8 =	sadd.s32 $0xFFFFE003, lr  }
0x1b: {  	s9 =	sadd.s32 $0xFFFFFEF7, lr;
	s5 =	simm.s32 $0xFFFFFFFF;
	p2 =	slt.u32 s8, $0xFFFFF086  }
0x1c: {  	p1 =	slt.u32 s9, $0xF7A;
	s5 =	simm.s32 @!p2 $0x0  }
0x1d: {  	s5 =	simm.s32 @p1 $0x1;
	p0 =	seq.s32 s7, s2  }
0x1e: {  	s7 =	smul.u32 @!p0 $0xF7A, s2;
	p2 =	seq.s32 @!p0 s5, $0x0  }
0x1f: {  	s9 =	smul.u32 $0xF7A, s1;
	s8 =	simm.s32 @!p0 $0x1BF5;
	p2 =	por !p2, p0  }
0x20: {  	[sflag:s8] =	ssyncset.s32 @!p0 $0xFFFFF086;
	s6 =	sadd.s32 @!p0 s3, s7;
	s7 =	simm.s32 @!p0 $0x108  }
0x21: {  	s3 =	sadd.s32 s3, s9;
	s6 =	sadd.s32 @!p0 $0x88, s6;
	s7 =	simm.s32 @p2 $0x1082  }
0x22: {  	[simem:s7], [sflag:s8] =	dma.local @!p0 [hbm:s6], $0xF7A  }
0x23: {  	s9 =	sor.u32 $0xD0000000, s2;
	s6 =	simm.s32 $0x108;
	_ =	swait.ge @!p0 [sflag:s8], $0x0  }
0x24: {  	s3 =	sadd.s32 $0x88, s3;
	s6 =	simm.s32 @!p1 $0x1082;
	[sflag:s4] =	ssyncset.s32 $0xFFFFF086  }
0x25: {  	[simem:s6], [sflag:s4] =	dma.local [hbm:s3], $0xF7A  }
0x26: {  	[smem:$0x3F9F] =	sst s1;
	(tag) =	ssettag s2;
	_ =	strace s9  }
0x27: {  	s1 =	sld [smem:$0x3FAF]  }
0x28: {  	s2 =	sld [smem:$0x3FB0]  }
0x29: {  	s4 =	sld [smem:$0x3FB2]  }
0x2a: {  	p0 =	seq.s32 s5, $0x0;
	s5 =	sld [smem:$0x3FB3]  }
0x2b: {  	s6 =	sld [smem:$0x3FB4]  }
0x2c: {  	s7 =	sld [smem:$0x3FB5]  }
0x2d: {  	s3 =	simm.s32 $0x108;
	s8 =	sld [smem:$0x3FB6]  }
0x2e: {  	s3 =	simm.s32 @!p0 $0x1082;
	s9 =	sld [smem:$0x3FB7]  }
0x2f: {  	lr =	sadd.s32 s0, s3;
	s0 =	sld [smem:$0x3FAE]  }
0x30: {  	s3 =	sld [smem:$0x3FB1]  }
0x31: {  	[smem:$0x3FBA] =	sst s10  }
0x32: {  	s10 =	sld [smem:$0x3FB8];
	_ =	sdelay $0x3  }
0x33: {  	p0 =	seq.s32 s10, $0x1;
	s10 =	sld [smem:$0x3FBA];
	_ =	sdelay $0x3  }
0x34: {  	[smem:$0x3FBA] =	sst s10  }
0x35: {  	s10 =	sld [smem:$0x3FB9];
	_ =	sdelay $0x3  }
0x36: {  	p1 =	seq.s32 s10, $0x1;
	s10 =	sld [smem:$0x3FBA];
	_ =	sdelay $0x3  }
0x37: {  	[smem:$0x3FBA] =	sst s10  }
0x38: {  	s10 =	sld [smem:$0x3FBB]  }
0x39: {  	_ = 	snop;
	(pc) =	sbr.ind lr, $3  }
0x3a: {  	_ = 	snop  }
0x3b: {  	_ = 	snop  }
0x3c: {  	p2 =	seq.s32 s10, $0x1;
	s10 =	sld [smem:$0x3FBA]  }
0x3d: {  	_ =	shalt  }
0x3e: {  	_ =	shalt  }
0x3f: {  	_ =	shalt  }
0x40: {  	_ =	shalt  }
0x41: {  	_ =	shalt  }
0x42: {  	_ =	shalt  }
0x43: {  	_ =	shalt  }
0x44: {  	_ =	shalt  }
0x45: {  	_ =	shalt  }
0x46: {  	_ =	shalt  }
0x47: {  	_ =	shalt  }
0x48: {  	_ =	shalt  }
0x49: {  	_ =	shalt  }
0x4a: {  	_ =	shalt  }
0x4b: {  	_ =	shalt  }
0x4c: {  	_ =	shalt  }
0x4d: {  	_ =	shalt  }
0x4e: {  	_ =	shalt  }
0x4f: {  	_ =	shalt  }
0x50: {  	_ =	shalt  }
0x51: {  	_ =	shalt  }
0x52: {  	_ =	shalt  }
0x53: {  	_ =	shalt  }
0x54: {  	_ =	shalt  }
0x55: {  	_ =	shalt  }
0x56: {  	_ =	shalt  }
0x57: {  	_ =	shalt  }
0x58: {  	_ =	shalt  }
0x59: {  	_ =	shalt  }
0x5a: {  	_ =	shalt  }
0x5b: {  	_ =	shalt  }
0x5c: {  	_ =	shalt  }
0x5d: {  	_ =	shalt  }
0x5e: {  	_ =	shalt  }
0x5f: {  	_ =	shalt  }
0x60: {  	_ =	shalt  }
0x61: {  	_ =	shalt  }
0x62: {  	_ =	shalt  }
0x63: {  	_ =	shalt  }
0x64: {  	_ =	shalt  }
0x65: {  	_ =	shalt  }
0x66: {  	_ =	shalt  }
0x67: {  	_ =	shalt  }
0x68: {  	_ =	shalt  }
0x69: {  	_ =	shalt  }
0x6a: {  	_ =	shalt  }
0x6b: {  	_ =	shalt  }
0x6c: {  	_ =	shalt  }
0x6d: {  	_ =	shalt  }
0x6e: {  	_ =	shalt  }
0x6f: {  	_ =	shalt  }
0x70: {  	_ =	shalt  }
0x71: {  	_ =	shalt  }
0x72: {  	_ =	shalt  }
0x73: {  	_ =	shalt  }
0x74: {  	_ =	shalt  }
0x75: {  	_ =	shalt  }
0x76: {  	_ =	shalt  }
0x77: {  	_ =	shalt  }
0x78: {  	_ =	shalt  }
0x79: {  	_ =	shalt  }
0x7a: {  	_ =	shalt  }
0x7b: {  	_ =	shalt  }
0x7c: {  	_ =	shalt  }
0x7d: {  	_ =	shalt  }
0x7e: {  	_ =	shalt  }
0x7f: {  	_ =	shalt  }
0x80: {  	_ =	shalt  }
0x81: {  	_ =	shalt  }
0x82: {  	_ =	shalt  }
0x83: {  	_ =	shalt  }
0x84: {  	_ =	shalt  }
0x85: {  	_ =	shalt  }
0x86: {  	_ =	shalt  }
0x87: {  	_ =	shalt  }
.Lfunc_end0:
.L_simem_size_0:
called_computation_lowered:
.L_overlay_start_0:
0x88: {  	s2 =	sld [smem:$0x3FD9]  }
0x89: {  	s3 =	sld [smem:$0x3FFE];
	_ =	sdelay $0x1  }
0x8a: {  	s1 =	srdreg.scid  }
0x8b: {  	s0 =	sand.u32 $0x1, s1  }
0x8c: {  	s17 =	sshll.u32 s0, $0xA;
	s2 =	sadd.s32 s3, s2  }
0x8d: {  	s2 =	sadd.s32 s2, s17  }
0x8e: {  	[smem:$0x3FC6] =	sst s2  }
0x8f: {  	_ = 	snop  }
0x90: {  	s2 =	sld [smem:$0x3FC9]  }
0x91: {  	s18 =	sld [smem:$0x3FD0];
	(tm) =	ssettm $0x1  }
0x92: {  	s4 =	sld [smem:$0x3FFB];
	_ =	sdelay $0x3  }
0x93: {  	_ =	strace s4  }
0x94: {  	s4 =	sld [smem:$0x3FFC];
	_ =	sdelay $0x3  }
0x95: {  	_ =	strace s4  }
0x96: {  	s4 =	sld [smem:$0x3FFD];
	_ =	sdelay $0x3  }
0x97: {  	_ =	strace s4  }
0x98: {  	_ =	strace $0x8FFFFFFF  }
0x99: {  	s19 =	sld [smem:$0x3FDB];
	_ =	sdelay $0x1  }
0x9a: {  	s5 =	simm.s32 $_scs_section_size  }
0x9b: {  	s6 =	simm.s32 $_size__tile_overlayer_lowered;
	s7 =	simm.s32 $_tile_overlayer_lowered  }
0x9c: {  	s22 =	simm.s32 $0x1BFF;
	s21 =	sshll.u32 s7, $0x1;
	s4 =	sadd.s32 s5, s19  }
0x9d: {  	s8 =	simm.s32 $0x0;
	s20 =	sshll.u32 s6, $0x1;
	s6 =	sadd.s32 s21, s4  }
0x9e: {  	[timem:s8], [sflag:s22] =	dma.local [hbm:s6], s20  }
0x9f: {  	_ =	swait.ge [sflag:s22], s20  }
0xa0: {  	s5 =	ssub.s32 $0x0, s20;
	[sflag:s22] =	ssyncset.done $0x0  }
0xa1: {  	[sflag:s22] =	ssyncadd.s32 s5;
	_ =	sdelay $0x1  }
0xa2: {  	s23 =	simm.s32 $0x1B8B  }
0xa3: {  	_ =	swait.ge [sflag:s23], $0x1  }
0xa4: {  	[sflag:s23] =	ssyncset.done $0x0  }
0xa5: {  	s25 =	simm.s32 $0x1B8E;
	s24 =	sld [smem:$0x3FFE];
	[sflag:s23] =	ssyncadd.s32 $0xFFFFFFFF  }
0xa6: {  	s26 =	simm.s32 $execute0_lowered;
	[smem:$0x3FD2] =	sst s25  }
0xa7: {  	s6 =	sshll.u32 s26, $0x1;
	_ =	strace $0x80000046;
	[dreg:$0x1] =	wrdreg $0xFFFFFFFF  }
0xa8: {  	s28 =	simm.s32 $_size_execute0_lowered;
	s4 =	sadd.s32 s4, s6;
	[dreg:$0x0] =	wrdreg $0x0  }
0xa9: {  	s6 =	sshll.u32 s28, $0x1;
	[dreg:$0x2] =	wrdreg s4  }
0xaa: {  	[dreg:$0x3] =	wrdreg s6  }
0xab: {  	[dreg:$0x4] =	wrdreg $0xC0  }
0xac: {  	_ =	task [dreg:s8], $0x5FFFF  }
0xad: {  	[dreg:$0x1] =	wrdreg $0xFFFFFFFF  }
0xae: {  	[dreg:$0x0] =	wrdreg $0x60  }
0xaf: {  	[dreg:$0x2] =	wrdreg s2  }
0xb0: {  	[dreg:$0x3] =	wrdreg s24  }
0xb1: {  	[dreg:$0x4] =	wrdreg s18  }
0xb2: {  	[dreg:$0x5] =	wrdreg $0x9  }
0xb3: {  	_ =	task.clear_ibuf [dreg:s8], $0x6FFFF;
	_ =	strace $0x90000046  }
0xb4: {  	s29 =	simm.s32 $0x9;
	_ =	strace $0x80000048  }
0xb5: {  	_ =	swait.ge [sflag:s29], $0x1  }
0xb6: {  	[sflag:s29] =	ssyncadd.s32 $0xFFFFFFFF  }
0xb7: {  	_ =	strace $0x90000048  }
0xb8: {  	_ =	sfence  }
0xb9: {  	s30 =	sld [smem:$0x0];
	_ =	sdelay $0x2  }
0xba: {  	s31 =	sshll.u32 s1, $0xD;
	s1 =	sshrl.u32 s1, $0x2  }
0xbb: {  	s3 =	sand.u32 $0x4000, s31;
	s1 =	sadd.s32 s1, s30  }
0xbc: {  	s0 =	sor.u32 s3, s0;
	s1 =	sshll.u32 s1, $0x11  }
0xbd: {  	s0 =	sor.u32 s1, s0  }
0xbe: {  	s0 =	sadd.s32 $0x8F2B, s0  }
0xbf: {  	[sflag:s0] =	ssyncadd.remote.s32 $0x1  }
0xc0: {  	_ =	sfence.sel $0xFFFF  }
0xc1: {  	[dreg:$0x0] =	wrdreg $0xFFFFFFFF;
	(pc) =	sbr.abs _section_cstart, $3  }
0xc2: {  	[dreg:$0x1] =	wrdreg $0xFFFFFFFF  }
0xc3: {  	_ =	task.clear_ibuf [dreg:s8], $0x2FFFF;
	_ =	strace $0x9FFFFFFF  }
0xc4: {  	(tm) =	ssettm $0x7FFFFFFF  }
0xc5: {  	_ =	shalt  }
tec
execute0_lowered:
.L_overlay_start_1:
0x0: {  	(tag) =	ssettag $0x1  }
0x1: {  	s2 =	rddreg [dreg:$0x0]  }
0x2: {  	s4 =	rddreg [dreg:$0x1]  }
0x3: {  	s6 =	rddreg [dreg:$0x2]  }
0x4: {  	s3 =	srdreg.scid;
	s1 =	stileid.u32  }
0x5: {  	s0 =	rddreg [dreg:$0x3];
	s5 =	sand.u32 $0x1, s3;
	s7 =	smul.u32 $0x50000, s1  }
0x6: {  	s3 =	simm.s32 $0x0;
	s11 =	smul.u32 $0xA00, s1;
	s4 =	sadd.s32 $0x600, s4  }
0x7: {  	s8 =	ssub.s32 $0x2, s5;
	s9 =	smul.u32 $0x28000, s5;
	[smem:$0x7FF] =	sst s3  }
0x8: {  	s31 =	smul.u32 $0x500, s5;
	s10 =	sshrl.u32 s8, $0x1;
	s6 =	sadd.s32 s7, s6  }
0x9: {  	_ =	strace $0x80000047;
	s8 =	ssub.s32 s8, s10;
	s6 =	sadd.s32 s9, s6  }
0xa: {  	s7 =	sadd.s32 s31, s11;
	s9 =	simm.s32 $0x80;
	s10 =	simm.s32 $0x1  }
0xb: {  	s11 =	simm.s32 $0x0;
	s5 =	smax.u32 s8, $0x1;
	s8 =	simm.s32 $0x2  }
.LBB2_1:
0xc: {  	s12 =	sadd.s32 $0x0, s7;
	s13 =	sand.u32 $0x70, s3  }
0xd: {  	s12 =	sand.u32 $0xFFFFF80, s12;
	s13 =	sadd.s32 s4, s13  }
0xe: {  	s12 =	sadd.s32 s12, s13  }
0xf: {  	[tilespmem:s3], [sflag:$0x2] =	stream.linear.gather [hbm4b:s12+s3], $0x80, $0x38;
	[tilespmem:$0x4080] =	vst v63  }
0x10: {  	_ =	swait.ge [sflag:s8], $0x80  }
0x11: {  	[sflag:s8] =	ssyncset.done $0x0  }
0x12: {  	[sflag:s8] =	ssyncadd.s32 $0xFFFFFF80  }
0x13: {  	[tilespmem:s9], [sflag:$0x1] =	stream.indirect.gather [hbm4b:s2+s9], $0x80, s3, s9, $0xb8;
	[tilespmem:$0x4080] =	vst v63  }
0x14: {  	_ =	swait.ge [sflag:s10], $0x4000  }
0x15: {  	s14 =	simm.s32 $0x10;
	[sflag:s10] =	ssyncset.done $0x0  }
0x16: {  	s15 =	sadd.s32 $0x10, s7;
	s16 =	sand.u32 $0x70, s14;
	[sflag:s10] =	ssyncadd.s32 $0xFFFFC000  }
0x17: {  	[hbm4b:s6+s3] =	stream.linear.scatter [tilespmem:s9], [sflag:$0x2], $0x4000, $0x38;
	[tilespmem:$0x4080] =	vst v63  }
0x18: {  	s14 =	sand.u32 $0xFFFFF80, s15;
	s13 =	simm.s32 $0x20;
	_ =	swait.ge [sflag:s8], $0x4000  }
0x19: {  	s15 =	sadd.s32 s4, s16;
	s12 =	sadd.s32 $0x800, s6;
	[sflag:s8] =	ssyncset.done $0x0  }
.LBB2_2:
0x1a: {  	s14 =	sadd.s32 s14, s15;
	[sflag:s8] =	ssyncadd.s32 $0xFFFFC000  }
0x1b: {  	s15 =	smov.u32 s13;
	s16 =	sadd.s32 $0x10, s13;
	s17 =	smov.u32 s12  }
0x1c: {  	[tilespmem:s3], [sflag:$0x2] =	stream.linear.gather [hbm4b:s14+s3], $0x80, $0x38;
	[tilespmem:$0x4080] =	vst v63  }
0x1d: {  	p0 =	sne.s32 s13, $0x4F0;
	_ =	swait.ge [sflag:s8], $0x80  }
0x1e: {  	[sflag:s8] =	ssyncset.done $0x0  }
0x1f: {  	[sflag:s8] =	ssyncadd.s32 $0xFFFFFF80  }
0x20: {  	[tilespmem:s9], [sflag:$0x1] =	stream.indirect.gather [hbm4b:s2+s9], $0x80, s3, s9, $0xb8;
	[tilespmem:$0x4080] =	vst v63  }
0x21: {  	_ =	swait.ge [sflag:s10], $0x4000  }
.Ltmp0:
0x22: {  	[sflag:s10] =	ssyncset.done $0x0;
	(pc) =	sbr.rel @p0 .LBB2_2-.Ltmp0, $4  }
0x23: {  	s12 =	sadd.s32 $0x800, s12;
	s13 =	sadd.s32 s15, s7;
	[sflag:s10] =	ssyncadd.s32 $0xFFFFC000  }
0x24: {  	[hbm4b:s17+s3] =	stream.linear.scatter [tilespmem:s9], [sflag:$0x2], $0x4000, $0x38;
	[tilespmem:$0x4080] =	vst v63  }
0x25: {  	s15 =	sand.u32 $0x70, s15;
	s14 =	sand.u32 $0xFFFFF80, s13;
	_ =	swait.ge [sflag:s8], $0x4000  }
0x26: {  	s15 =	sadd.s32 s4, s15;
	s13 =	smov.u32 s16;
	[sflag:s8] =	ssyncset.done $0x0  }
0x27: {  	s13 =	sadd.s32 s14, s15;
	[sflag:s8] =	ssyncadd.s32 $0xFFFFC000  }
0x28: {  	[tilespmem:s3], [sflag:$0x2] =	stream.linear.gather [hbm4b:s13+s3], $0x80, $0x38;
	[tilespmem:$0x4080] =	vst v63  }
0x29: {  	_ =	swait.ge [sflag:s8], $0x80  }
0x2a: {  	[sflag:s8] =	ssyncset.done $0x0  }
0x2b: {  	[sflag:s8] =	ssyncadd.s32 $0xFFFFFF80  }
0x2c: {  	[tilespmem:s9], [sflag:$0x1] =	stream.indirect.gather [hbm4b:s2+s9], $0x80, s3, s9, $0xb8;
	[tilespmem:$0x4080] =	vst v63  }
0x2d: {  	s11 =	sadd.s32 $0x1, s11;
	_ =	swait.ge [sflag:s10], $0x4000  }
0x2e: {  	p0 =	sne.s32 s11, s5;
	[sflag:s10] =	ssyncset.done $0x0  }
.Ltmp1:
0x2f: {  	[sflag:s10] =	ssyncadd.s32 $0xFFFFC000;
	(pc) =	sbr.rel @p0 .LBB2_1-.Ltmp1, $4  }
0x30: {  	[hbm4b:s12+s3] =	stream.linear.scatter [tilespmem:s9], [sflag:$0x2], $0x4000, $0x38;
	[tilespmem:$0x4080] =	vst v63  }
0x31: {  	_ =	swait.ge [sflag:s8], $0x4000  }
0x32: {  	[sflag:s8] =	ssyncset.done $0x0  }
0x33: {  	[sflag:s8] =	ssyncadd.s32 $0xFFFFC000  }
0x34: {  	_ =	sfence.sel $0x180000  }
0x35: {  	[bflag:$0x0] =	sbarrier.arrive $0xFFFF  }
0x36: {  	p0 =	sne.s32 s1, $0x0;
	_ =	strace $0x90000047  }
0x37: {  	s0 =	sadd.s32 @!p0 $0x100000, s0;
	[bflag:$0x2] =	sbarrier.arrive $0xFFFF  }
0x38: {  	[sflag:s0] =	ssyncadd.tile.s32 @!p0 $0x1;
	_ =	shalt  }
.Lfunc_end2:
_tile_overlayer_lowered:
.L_overlay_start_2:
0x39: {  	(tag) =	ssettag $0x2  }
0x3a: {  	s0 =	rddreg [dreg:$0x0];
	s2 =	stileid.u32  }
0x3b: {  	s1 =	rddreg [dreg:$0x1];
	p0 =	sne.s32 s2, $0x0  }
0x3c: {  	s3 =	rddreg [dreg:$0x2];
	[bflag:$0x3] =	sbarrier.arrive $0xFFFF;
	s2 =	simm.s32 @!p0 $0x1C02  }
0x3d: {  	[timem:s3], [sflag:s2] =	dma.local @!p0 [hbm:s0], s1  }
0x3e: {  	s0 =	simm.s32 @!p0 $0x2  }
0x3f: {  	_ =	swait.ge @!p0 [sflag:s0], s1  }
0x40: {  	s1 =	ssub.s32 @!p0 $0x0, s1;
	[sflag:s0] =	ssyncset.done @!p0 $0x0  }
0x41: {  	[sflag:s0] =	ssyncadd.s32 @!p0 s1  }
0x42: {  	[bflag:$0x3] =	sbarrier.arrive $0xFFFF  }
0x43: {  	_ =	shalt  }

</sc_bundles>
